<compile_context>
chip_gen: v7x
topology: tpu7x:2x2x1
jax: 0.10.2.dev20260603
libtpu: 0.0.44.dev20260713+nightly
codegen_flags: <defaults>
</compile_context>

<pallas_src>
import functools

import jax
import jax.numpy as jnp
from jax import lax
from jax.experimental import pallas as pl
from jax.experimental.pallas import tpu as pltpu
from jax.experimental.pallas import tpu_sc as plsc

B, T, D = 16, 4096, 1024
NC = 2
BPC = B // NC


def _last_row_gather(x_flat, seq_len):
    mesh = plsc.ScalarSubcoreMesh(axis_name="c", num_cores=NC)

    @functools.partial(
        pl.kernel,
        mesh=mesh,
        out_type=jax.ShapeDtypeStruct((B, D), jnp.float32),
        scratch_types=[
            pltpu.SMEM((B,), jnp.int32),
            pltpu.SemaphoreType.DMA,
        ],
    )
    def k(x_hbm, seq_hbm, out_hbm, seq_s, sem):
        c = lax.axis_index("c")
        pltpu.sync_copy(seq_hbm, seq_s)
        copies = []
        for i in range(BPC):
            b = c * BPC + i
            row = b * T + seq_s[b] - 1
            copies.append(
                pltpu.make_async_copy(
                    x_hbm.at[pl.ds(row, 1)], out_hbm.at[pl.ds(b, 1)], sem
                )
            )
            copies[-1].start()
        for cp in copies:
            cp.wait()

    return k(x_flat, seq_len)


def kernel(x, seq_len):
    return _last_row_gather(x.reshape(B * T, D), seq_len.astype(jnp.int32))

# --- scband reference (transcript-rebuilt; emitter-appended) ---
"""Pipeline reference for scband-last-seq-hidden-59906203844992 (READ-ONLY COPY).

The authoritative reference and input builder live on the scoring server;
editing this copy changes nothing except your own understanding.
"""

import jax, jax.numpy as jnp
import numpy as np


def setup_inputs(seed: int = 0) -> dict:
    key = jax.random.key(seed)
    kx, ks = jax.random.split(key)
    B, T, D = 16, 4096, 1024
    x = jax.random.normal(kx, (B, T, D), dtype=jnp.float32)
    # sequence lengths in [1, T] so that seq_len - 1 is a valid timestep index
    seq_len = jax.random.randint(ks, (B,), 1, T + 1, dtype=jnp.int32)
    return {"x": x, "seq_len": seq_len}


def reference(x, seq_len):
    # Faithful translation of: x[torch.arange(x.shape[0]), seq_len.long() - 1]
    batch_idx = jnp.arange(x.shape[0])
    gather_idx = seq_len.astype(jnp.int32) - 1
    return x[batch_idx, gather_idx]

if __name__ == "__main__":
    import jax
    _d = setup_inputs()
    print(jax.jit(kernel)(*tuple(_d.values())))

</pallas_src>

<mosaic_0001>
#map = affine_map<(d0) -> (0, 0)>
#map1 = affine_map<(d0) -> (0)>
module attributes {stable_mosaic.version = 14 : i64} {
  func.func @k(%arg0: i32, %arg1: memref<65536x1024xf32, #tpu.memory_space<hbm>>, %arg2: memref<16xi32, #tpu.memory_space<hbm>>, %arg3: memref<16x1024xf32, #tpu.memory_space<hbm>>, %arg4: memref<16xi32, #tpu.memory_space<smem>>, %arg5: memref<!tpu.dma_semaphore, #tpu.memory_space<semaphore_mem>>) attributes {dimension_semantics = [#tpu.dimension_semantics<core_parallel>], iteration_bounds = array<i64: 2>, scalar_prefetch = 0 : i64, scratch_operands = 2 : i64, tpu.core_type = #tpu.core_type<sc_scalar_subcore>, window_params = [{transform_indices = #map}, {transform_indices = #map1}, {transform_indices = #map}]} {
    "tpu.region"() ({
      %run_scoped3A = tpu.sem_alloc : memref<!tpu.dma_semaphore, #tpu.memory_space<semaphore_mem>>
      tpu.enqueue_dma source(%arg2 : memref<16xi32, #tpu.memory_space<hbm>>) target(%arg4 : memref<16xi32, #tpu.memory_space<smem>>) target_semaphore(%run_scoped3A : memref<!tpu.dma_semaphore, #tpu.memory_space<semaphore_mem>>)
      tpu.wait_dma2 semaphore(%run_scoped3A : memref<!tpu.dma_semaphore, #tpu.memory_space<semaphore_mem>>) src(%arg2 : memref<16xi32, #tpu.memory_space<hbm>>) dst(%arg4 : memref<16xi32, #tpu.memory_space<smem>>)
      tpu.yield
    }) : () -> ()
    %mul3A = arith.constant 8 : i32
    %mul3A_0 = arith.muli %arg0, %mul3A : i32
    %add3A = arith.constant 0 : i32
    %add3A_1 = arith.addi %mul3A_0, %add3A : i32
    %mul3A_2 = arith.constant 4096 : i32
    %mul3A_3 = arith.muli %add3A_1, %mul3A_2 : i32
    %get3A = arith.index_cast %add3A_1 : i32 to index
    %get3A_4 = memref.load %arg4[%get3A] : memref<16xi32, #tpu.memory_space<smem>>
    %add3A_5 = arith.addi %mul3A_3, %get3A_4 : i32
    %sub3A = arith.constant 1 : i32
    %sub3A_6 = arith.subi %add3A_5, %sub3A : i32
    %dma_start3A = arith.constant 0 : i32
    %dma_start3A_7 = tpu.memref_slice %arg3[%add3A_1, %dma_start3A] : memref<16x1024xf32, #tpu.memory_space<hbm>> -> memref<1x1024xf32, #tpu.memory_space<hbm>>
    %dma_start3A_8 = arith.constant 0 : i32
    %dma_start3A_9 = tpu.memref_slice %arg1[%sub3A_6, %dma_start3A_8] : memref<65536x1024xf32, #tpu.memory_space<hbm>> -> memref<1x1024xf32, #tpu.memory_space<hbm>>
    tpu.enqueue_dma source(%dma_start3A_9 : memref<1x1024xf32, #tpu.memory_space<hbm>>) target(%dma_start3A_7 : memref<1x1024xf32, #tpu.memory_space<hbm>>) target_semaphore(%arg5 : memref<!tpu.dma_semaphore, #tpu.memory_space<semaphore_mem>>)
    %mul3A_10 = arith.constant 8 : i32
    %mul3A_11 = arith.muli %arg0, %mul3A_10 : i32
    %add3A_12 = arith.constant 1 : i32
    %add3A_13 = arith.addi %mul3A_11, %add3A_12 : i32
    %mul3A_14 = arith.constant 4096 : i32
    %mul3A_15 = arith.muli %add3A_13, %mul3A_14 : i32
    %get3A_16 = arith.index_cast %add3A_13 : i32 to index
    %get3A_17 = memref.load %arg4[%get3A_16] : memref<16xi32, #tpu.memory_space<smem>>
    %add3A_18 = arith.addi %mul3A_15, %get3A_17 : i32
    %sub3A_19 = arith.constant 1 : i32
    %sub3A_20 = arith.subi %add3A_18, %sub3A_19 : i32
    %dma_start3A_21 = arith.constant 0 : i32
    %dma_start3A_22 = tpu.memref_slice %arg3[%add3A_13, %dma_start3A_21] : memref<16x1024xf32, #tpu.memory_space<hbm>> -> memref<1x1024xf32, #tpu.memory_space<hbm>>
    %dma_start3A_23 = arith.constant 0 : i32
    %dma_start3A_24 = tpu.memref_slice %arg1[%sub3A_20, %dma_start3A_23] : memref<65536x1024xf32, #tpu.memory_space<hbm>> -> memref<1x1024xf32, #tpu.memory_space<hbm>>
    tpu.enqueue_dma source(%dma_start3A_24 : memref<1x1024xf32, #tpu.memory_space<hbm>>) target(%dma_start3A_22 : memref<1x1024xf32, #tpu.memory_space<hbm>>) target_semaphore(%arg5 : memref<!tpu.dma_semaphore, #tpu.memory_space<semaphore_mem>>)
    %mul3A_25 = arith.constant 8 : i32
    %mul3A_26 = arith.muli %arg0, %mul3A_25 : i32
    %add3A_27 = arith.constant 2 : i32
    %add3A_28 = arith.addi %mul3A_26, %add3A_27 : i32
    %mul3A_29 = arith.constant 4096 : i32
    %mul3A_30 = arith.muli %add3A_28, %mul3A_29 : i32
    %get3A_31 = arith.index_cast %add3A_28 : i32 to index
    %get3A_32 = memref.load %arg4[%get3A_31] : memref<16xi32, #tpu.memory_space<smem>>
    %add3A_33 = arith.addi %mul3A_30, %get3A_32 : i32
    %sub3A_34 = arith.constant 1 : i32
    %sub3A_35 = arith.subi %add3A_33, %sub3A_34 : i32
    %dma_start3A_36 = arith.constant 0 : i32
    %dma_start3A_37 = tpu.memref_slice %arg3[%add3A_28, %dma_start3A_36] : memref<16x1024xf32, #tpu.memory_space<hbm>> -> memref<1x1024xf32, #tpu.memory_space<hbm>>
    %dma_start3A_38 = arith.constant 0 : i32
    %dma_start3A_39 = tpu.memref_slice %arg1[%sub3A_35, %dma_start3A_38] : memref<65536x1024xf32, #tpu.memory_space<hbm>> -> memref<1x1024xf32, #tpu.memory_space<hbm>>
    tpu.enqueue_dma source(%dma_start3A_39 : memref<1x1024xf32, #tpu.memory_space<hbm>>) target(%dma_start3A_37 : memref<1x1024xf32, #tpu.memory_space<hbm>>) target_semaphore(%arg5 : memref<!tpu.dma_semaphore, #tpu.memory_space<semaphore_mem>>)
    %mul3A_40 = arith.constant 8 : i32
    %mul3A_41 = arith.muli %arg0, %mul3A_40 : i32
    %add3A_42 = arith.constant 3 : i32
    %add3A_43 = arith.addi %mul3A_41, %add3A_42 : i32
    %mul3A_44 = arith.constant 4096 : i32
    %mul3A_45 = arith.muli %add3A_43, %mul3A_44 : i32
    %get3A_46 = arith.index_cast %add3A_43 : i32 to index
    %get3A_47 = memref.load %arg4[%get3A_46] : memref<16xi32, #tpu.memory_space<smem>>
    %add3A_48 = arith.addi %mul3A_45, %get3A_47 : i32
    %sub3A_49 = arith.constant 1 : i32
    %sub3A_50 = arith.subi %add3A_48, %sub3A_49 : i32
    %dma_start3A_51 = arith.constant 0 : i32
    %dma_start3A_52 = tpu.memref_slice %arg3[%add3A_43, %dma_start3A_51] : memref<16x1024xf32, #tpu.memory_space<hbm>> -> memref<1x1024xf32, #tpu.memory_space<hbm>>
    %dma_start3A_53 = arith.constant 0 : i32
    %dma_start3A_54 = tpu.memref_slice %arg1[%sub3A_50, %dma_start3A_53] : memref<65536x1024xf32, #tpu.memory_space<hbm>> -> memref<1x1024xf32, #tpu.memory_space<hbm>>
    tpu.enqueue_dma source(%dma_start3A_54 : memref<1x1024xf32, #tpu.memory_space<hbm>>) target(%dma_start3A_52 : memref<1x1024xf32, #tpu.memory_space<hbm>>) target_semaphore(%arg5 : memref<!tpu.dma_semaphore, #tpu.memory_space<semaphore_mem>>)
    %mul3A_55 = arith.constant 8 : i32
    %mul3A_56 = arith.muli %arg0, %mul3A_55 : i32
    %add3A_57 = arith.constant 4 : i32
    %add3A_58 = arith.addi %mul3A_56, %add3A_57 : i32
    %mul3A_59 = arith.constant 4096 : i32
    %mul3A_60 = arith.muli %add3A_58, %mul3A_59 : i32
    %get3A_61 = arith.index_cast %add3A_58 : i32 to index
    %get3A_62 = memref.load %arg4[%get3A_61] : memref<16xi32, #tpu.memory_space<smem>>
    %add3A_63 = arith.addi %mul3A_60, %get3A_62 : i32
    %sub3A_64 = arith.constant 1 : i32
    %sub3A_65 = arith.subi %add3A_63, %sub3A_64 : i32
    %dma_start3A_66 = arith.constant 0 : i32
    %dma_start3A_67 = tpu.memref_slice %arg3[%add3A_58, %dma_start3A_66] : memref<16x1024xf32, #tpu.memory_space<hbm>> -> memref<1x1024xf32, #tpu.memory_space<hbm>>
    %dma_start3A_68 = arith.constant 0 : i32
    %dma_start3A_69 = tpu.memref_slice %arg1[%sub3A_65, %dma_start3A_68] : memref<65536x1024xf32, #tpu.memory_space<hbm>> -> memref<1x1024xf32, #tpu.memory_space<hbm>>
    tpu.enqueue_dma source(%dma_start3A_69 : memref<1x1024xf32, #tpu.memory_space<hbm>>) target(%dma_start3A_67 : memref<1x1024xf32, #tpu.memory_space<hbm>>) target_semaphore(%arg5 : memref<!tpu.dma_semaphore, #tpu.memory_space<semaphore_mem>>)
    %mul3A_70 = arith.constant 8 : i32
    %mul3A_71 = arith.muli %arg0, %mul3A_70 : i32
    %add3A_72 = arith.constant 5 : i32
    %add3A_73 = arith.addi %mul3A_71, %add3A_72 : i32
    %mul3A_74 = arith.constant 4096 : i32
    %mul3A_75 = arith.muli %add3A_73, %mul3A_74 : i32
    %get3A_76 = arith.index_cast %add3A_73 : i32 to index
    %get3A_77 = memref.load %arg4[%get3A_76] : memref<16xi32, #tpu.memory_space<smem>>
    %add3A_78 = arith.addi %mul3A_75, %get3A_77 : i32
    %sub3A_79 = arith.constant 1 : i32
    %sub3A_80 = arith.subi %add3A_78, %sub3A_79 : i32
    %dma_start3A_81 = arith.constant 0 : i32
    %dma_start3A_82 = tpu.memref_slice %arg3[%add3A_73, %dma_start3A_81] : memref<16x1024xf32, #tpu.memory_space<hbm>> -> memref<1x1024xf32, #tpu.memory_space<hbm>>
    %dma_start3A_83 = arith.constant 0 : i32
    %dma_start3A_84 = tpu.memref_slice %arg1[%sub3A_80, %dma_start3A_83] : memref<65536x1024xf32, #tpu.memory_space<hbm>> -> memref<1x1024xf32, #tpu.memory_space<hbm>>
    tpu.enqueue_dma source(%dma_start3A_84 : memref<1x1024xf32, #tpu.memory_space<hbm>>) target(%dma_start3A_82 : memref<1x1024xf32, #tpu.memory_space<hbm>>) target_semaphore(%arg5 : memref<!tpu.dma_semaphore, #tpu.memory_space<semaphore_mem>>)
    %mul3A_85 = arith.constant 8 : i32
    %mul3A_86 = arith.muli %arg0, %mul3A_85 : i32
    %add3A_87 = arith.constant 6 : i32
    %add3A_88 = arith.addi %mul3A_86, %add3A_87 : i32
    %mul3A_89 = arith.constant 4096 : i32
    %mul3A_90 = arith.muli %add3A_88, %mul3A_89 : i32
    %get3A_91 = arith.index_cast %add3A_88 : i32 to index
    %get3A_92 = memref.load %arg4[%get3A_91] : memref<16xi32, #tpu.memory_space<smem>>
    %add3A_93 = arith.addi %mul3A_90, %get3A_92 : i32
    %sub3A_94 = arith.constant 1 : i32
    %sub3A_95 = arith.subi %add3A_93, %sub3A_94 : i32
    %dma_start3A_96 = arith.constant 0 : i32
    %dma_start3A_97 = tpu.memref_slice %arg3[%add3A_88, %dma_start3A_96] : memref<16x1024xf32, #tpu.memory_space<hbm>> -> memref<1x1024xf32, #tpu.memory_space<hbm>>
    %dma_start3A_98 = arith.constant 0 : i32
    %dma_start3A_99 = tpu.memref_slice %arg1[%sub3A_95, %dma_start3A_98] : memref<65536x1024xf32, #tpu.memory_space<hbm>> -> memref<1x1024xf32, #tpu.memory_space<hbm>>
    tpu.enqueue_dma source(%dma_start3A_99 : memref<1x1024xf32, #tpu.memory_space<hbm>>) target(%dma_start3A_97 : memref<1x1024xf32, #tpu.memory_space<hbm>>) target_semaphore(%arg5 : memref<!tpu.dma_semaphore, #tpu.memory_space<semaphore_mem>>)
    %mul3A_100 = arith.constant 8 : i32
    %mul3A_101 = arith.muli %arg0, %mul3A_100 : i32
    %add3A_102 = arith.constant 7 : i32
    %add3A_103 = arith.addi %mul3A_101, %add3A_102 : i32
    %mul3A_104 = arith.constant 4096 : i32
    %mul3A_105 = arith.muli %add3A_103, %mul3A_104 : i32
    %get3A_106 = arith.index_cast %add3A_103 : i32 to index
    %get3A_107 = memref.load %arg4[%get3A_106] : memref<16xi32, #tpu.memory_space<smem>>
    %add3A_108 = arith.addi %mul3A_105, %get3A_107 : i32
    %sub3A_109 = arith.constant 1 : i32
    %sub3A_110 = arith.subi %add3A_108, %sub3A_109 : i32
    %dma_start3A_111 = arith.constant 0 : i32
    %dma_start3A_112 = tpu.memref_slice %arg3[%add3A_103, %dma_start3A_111] : memref<16x1024xf32, #tpu.memory_space<hbm>> -> memref<1x1024xf32, #tpu.memory_space<hbm>>
    %dma_start3A_113 = arith.constant 0 : i32
    %dma_start3A_114 = tpu.memref_slice %arg1[%sub3A_110, %dma_start3A_113] : memref<65536x1024xf32, #tpu.memory_space<hbm>> -> memref<1x1024xf32, #tpu.memory_space<hbm>>
    tpu.enqueue_dma source(%dma_start3A_114 : memref<1x1024xf32, #tpu.memory_space<hbm>>) target(%dma_start3A_112 : memref<1x1024xf32, #tpu.memory_space<hbm>>) target_semaphore(%arg5 : memref<!tpu.dma_semaphore, #tpu.memory_space<semaphore_mem>>)
    %dma_wait3A = arith.constant 0 : i32
    %dma_wait3A_115 = tpu.memref_slice %arg3[%add3A_1, %dma_wait3A] : memref<16x1024xf32, #tpu.memory_space<hbm>> -> memref<1x1024xf32, #tpu.memory_space<hbm>>
    %dma_wait3A_116 = arith.constant 0 : i32
    %dma_wait3A_117 = tpu.memref_slice %arg1[%sub3A_6, %dma_wait3A_116] : memref<65536x1024xf32, #tpu.memory_space<hbm>> -> memref<1x1024xf32, #tpu.memory_space<hbm>>
    tpu.wait_dma2 semaphore(%arg5 : memref<!tpu.dma_semaphore, #tpu.memory_space<semaphore_mem>>) src(%dma_wait3A_117 : memref<1x1024xf32, #tpu.memory_space<hbm>>) dst(%dma_wait3A_115 : memref<1x1024xf32, #tpu.memory_space<hbm>>)
    %dma_wait3A_118 = arith.constant 0 : i32
    %dma_wait3A_119 = tpu.memref_slice %arg3[%add3A_13, %dma_wait3A_118] : memref<16x1024xf32, #tpu.memory_space<hbm>> -> memref<1x1024xf32, #tpu.memory_space<hbm>>
    %dma_wait3A_120 = arith.constant 0 : i32
    %dma_wait3A_121 = tpu.memref_slice %arg1[%sub3A_20, %dma_wait3A_120] : memref<65536x1024xf32, #tpu.memory_space<hbm>> -> memref<1x1024xf32, #tpu.memory_space<hbm>>
    tpu.wait_dma2 semaphore(%arg5 : memref<!tpu.dma_semaphore, #tpu.memory_space<semaphore_mem>>) src(%dma_wait3A_121 : memref<1x1024xf32, #tpu.memory_space<hbm>>) dst(%dma_wait3A_119 : memref<1x1024xf32, #tpu.memory_space<hbm>>)
    %dma_wait3A_122 = arith.constant 0 : i32
    %dma_wait3A_123 = tpu.memref_slice %arg3[%add3A_28, %dma_wait3A_122] : memref<16x1024xf32, #tpu.memory_space<hbm>> -> memref<1x1024xf32, #tpu.memory_space<hbm>>
    %dma_wait3A_124 = arith.constant 0 : i32
    %dma_wait3A_125 = tpu.memref_slice %arg1[%sub3A_35, %dma_wait3A_124] : memref<65536x1024xf32, #tpu.memory_space<hbm>> -> memref<1x1024xf32, #tpu.memory_space<hbm>>
    tpu.wait_dma2 semaphore(%arg5 : memref<!tpu.dma_semaphore, #tpu.memory_space<semaphore_mem>>) src(%dma_wait3A_125 : memref<1x1024xf32, #tpu.memory_space<hbm>>) dst(%dma_wait3A_123 : memref<1x1024xf32, #tpu.memory_space<hbm>>)
    %dma_wait3A_126 = arith.constant 0 : i32
    %dma_wait3A_127 = tpu.memref_slice %arg3[%add3A_43, %dma_wait3A_126] : memref<16x1024xf32, #tpu.memory_space<hbm>> -> memref<1x1024xf32, #tpu.memory_space<hbm>>
    %dma_wait3A_128 = arith.constant 0 : i32
    %dma_wait3A_129 = tpu.memref_slice %arg1[%sub3A_50, %dma_wait3A_128] : memref<65536x1024xf32, #tpu.memory_space<hbm>> -> memref<1x1024xf32, #tpu.memory_space<hbm>>
    tpu.wait_dma2 semaphore(%arg5 : memref<!tpu.dma_semaphore, #tpu.memory_space<semaphore_mem>>) src(%dma_wait3A_129 : memref<1x1024xf32, #tpu.memory_space<hbm>>) dst(%dma_wait3A_127 : memref<1x1024xf32, #tpu.memory_space<hbm>>)
    %dma_wait3A_130 = arith.constant 0 : i32
    %dma_wait3A_131 = tpu.memref_slice %arg3[%add3A_58, %dma_wait3A_130] : memref<16x1024xf32, #tpu.memory_space<hbm>> -> memref<1x1024xf32, #tpu.memory_space<hbm>>
    %dma_wait3A_132 = arith.constant 0 : i32
    %dma_wait3A_133 = tpu.memref_slice %arg1[%sub3A_65, %dma_wait3A_132] : memref<65536x1024xf32, #tpu.memory_space<hbm>> -> memref<1x1024xf32, #tpu.memory_space<hbm>>
    tpu.wait_dma2 semaphore(%arg5 : memref<!tpu.dma_semaphore, #tpu.memory_space<semaphore_mem>>) src(%dma_wait3A_133 : memref<1x1024xf32, #tpu.memory_space<hbm>>) dst(%dma_wait3A_131 : memref<1x1024xf32, #tpu.memory_space<hbm>>)
    %dma_wait3A_134 = arith.constant 0 : i32
    %dma_wait3A_135 = tpu.memref_slice %arg3[%add3A_73, %dma_wait3A_134] : memref<16x1024xf32, #tpu.memory_space<hbm>> -> memref<1x1024xf32, #tpu.memory_space<hbm>>
    %dma_wait3A_136 = arith.constant 0 : i32
    %dma_wait3A_137 = tpu.memref_slice %arg1[%sub3A_80, %dma_wait3A_136] : memref<65536x1024xf32, #tpu.memory_space<hbm>> -> memref<1x1024xf32, #tpu.memory_space<hbm>>
    tpu.wait_dma2 semaphore(%arg5 : memref<!tpu.dma_semaphore, #tpu.memory_space<semaphore_mem>>) src(%dma_wait3A_137 : memref<1x1024xf32, #tpu.memory_space<hbm>>) dst(%dma_wait3A_135 : memref<1x1024xf32, #tpu.memory_space<hbm>>)
    %dma_wait3A_138 = arith.constant 0 : i32
    %dma_wait3A_139 = tpu.memref_slice %arg3[%add3A_88, %dma_wait3A_138] : memref<16x1024xf32, #tpu.memory_space<hbm>> -> memref<1x1024xf32, #tpu.memory_space<hbm>>
    %dma_wait3A_140 = arith.constant 0 : i32
    %dma_wait3A_141 = tpu.memref_slice %arg1[%sub3A_95, %dma_wait3A_140] : memref<65536x1024xf32, #tpu.memory_space<hbm>> -> memref<1x1024xf32, #tpu.memory_space<hbm>>
    tpu.wait_dma2 semaphore(%arg5 : memref<!tpu.dma_semaphore, #tpu.memory_space<semaphore_mem>>) src(%dma_wait3A_141 : memref<1x1024xf32, #tpu.memory_space<hbm>>) dst(%dma_wait3A_139 : memref<1x1024xf32, #tpu.memory_space<hbm>>)
    %dma_wait3A_142 = arith.constant 0 : i32
    %dma_wait3A_143 = tpu.memref_slice %arg3[%add3A_103, %dma_wait3A_142] : memref<16x1024xf32, #tpu.memory_space<hbm>> -> memref<1x1024xf32, #tpu.memory_space<hbm>>
    %dma_wait3A_144 = arith.constant 0 : i32
    %dma_wait3A_145 = tpu.memref_slice %arg1[%sub3A_110, %dma_wait3A_144] : memref<65536x1024xf32, #tpu.memory_space<hbm>> -> memref<1x1024xf32, #tpu.memory_space<hbm>>
    tpu.wait_dma2 semaphore(%arg5 : memref<!tpu.dma_semaphore, #tpu.memory_space<semaphore_mem>>) src(%dma_wait3A_145 : memref<1x1024xf32, #tpu.memory_space<hbm>>) dst(%dma_wait3A_143 : memref<1x1024xf32, #tpu.memory_space<hbm>>)
    return
  }
}

</mosaic_0001>

<sc_bundles>
// kernel: kernel.3.cloned.1.call-start
scs
__scs_entry_jumppad:
0x0: {  	(pc) =	sbr.rel $0x88, $3  }
0x1: {  	(tag) =	ssettag $0x0;
	lr =	simm.s32 $0x1  }
0x2: {  	[smem:$0x3F9F] =	sst lr;
	_ =	strace $0xD0000000  }
0x3: {  	_ = 	snop  }
0x4: {  	_ = 	snop  }
0x5: {  	_ = 	snop  }
0x6: {  	_ = 	snop  }
0x7: {  	_ = 	snop  }
__scs_overlays_trampoline_lowered:
0x8: {  	[smem:$0x3FAE] =	sst s0  }
0x9: {  	[smem:$0x3FAF] =	sst s1  }
0xa: {  	[smem:$0x3FB0] =	sst s2  }
0xb: {  	[smem:$0x3FB1] =	sst s3  }
0xc: {  	[smem:$0x3FB2] =	sst s4  }
0xd: {  	[smem:$0x3FB3] =	sst s5  }
0xe: {  	[smem:$0x3FB4] =	sst s6  }
0xf: {  	[smem:$0x3FB5] =	sst s7  }
0x10: {  	[smem:$0x3FB6] =	sst s8  }
0x11: {  	[smem:$0x3FB7] =	sst s9;
	s0 =	simm.s32 @!p0 $0x0  }
0x12: {  	s1 =	sld [smem:$0x3F9D];
	s0 =	simm.s32 @p0 $0x1  }
0x13: {  	[smem:$0x3FB8] =	sst s0;
	s0 =	simm.s32 @!p1 $0x0  }
0x14: {  	s2 =	sld [smem:$0x3F9C];
	s0 =	simm.s32 @p1 $0x1  }
0x15: {  	[smem:$0x3FB9] =	sst s0;
	s0 =	simm.s32 @!p2 $0x0  }
0x16: {  	s3 =	sld [smem:$0x3FDB];
	s0 =	simm.s32 @p2 $0x1  }
0x17: {  	s4 =	simm.s32 $0x1BF5;
	[smem:$0x3FBB] =	sst s0  }
0x18: {  	s0 =	sld [smem:$0x3F9E];
	_ =	swait.ge [sflag:s4], $0x0  }
0x19: {  	s7 =	sld [smem:$0x3F9F]  }
0x1a: {  	s8 =	sadd.s32 $0xFFFFE003, lr  }
0x1b: {  	s9 =	sadd.s32 $0xFFFFFEF7, lr;
	s5 =	simm.s32 $0xFFFFFFFF;
	p2 =	slt.u32 s8, $0xFFFFF086  }
0x1c: {  	p1 =	slt.u32 s9, $0xF7A;
	s5 =	simm.s32 @!p2 $0x0  }
0x1d: {  	s5 =	simm.s32 @p1 $0x1;
	p0 =	seq.s32 s7, s2  }
0x1e: {  	s7 =	smul.u32 @!p0 $0xF7A, s2;
	p2 =	seq.s32 @!p0 s5, $0x0  }
0x1f: {  	s9 =	smul.u32 $0xF7A, s1;
	s8 =	simm.s32 @!p0 $0x1BF5;
	p2 =	por !p2, p0  }
0x20: {  	[sflag:s8] =	ssyncset.s32 @!p0 $0xFFFFF086;
	s6 =	sadd.s32 @!p0 s3, s7;
	s7 =	simm.s32 @!p0 $0x108  }
0x21: {  	s3 =	sadd.s32 s3, s9;
	s6 =	sadd.s32 @!p0 $0x88, s6;
	s7 =	simm.s32 @p2 $0x1082  }
0x22: {  	[simem:s7], [sflag:s8] =	dma.local @!p0 [hbm:s6], $0xF7A  }
0x23: {  	s9 =	sor.u32 $0xD0000000, s2;
	s6 =	simm.s32 $0x108;
	_ =	swait.ge @!p0 [sflag:s8], $0x0  }
0x24: {  	s3 =	sadd.s32 $0x88, s3;
	s6 =	simm.s32 @!p1 $0x1082;
	[sflag:s4] =	ssyncset.s32 $0xFFFFF086  }
0x25: {  	[simem:s6], [sflag:s4] =	dma.local [hbm:s3], $0xF7A  }
0x26: {  	[smem:$0x3F9F] =	sst s1;
	(tag) =	ssettag s2;
	_ =	strace s9  }
0x27: {  	s1 =	sld [smem:$0x3FAF]  }
0x28: {  	s2 =	sld [smem:$0x3FB0]  }
0x29: {  	s4 =	sld [smem:$0x3FB2]  }
0x2a: {  	p0 =	seq.s32 s5, $0x0;
	s5 =	sld [smem:$0x3FB3]  }
0x2b: {  	s6 =	sld [smem:$0x3FB4]  }
0x2c: {  	s7 =	sld [smem:$0x3FB5]  }
0x2d: {  	s3 =	simm.s32 $0x108;
	s8 =	sld [smem:$0x3FB6]  }
0x2e: {  	s3 =	simm.s32 @!p0 $0x1082;
	s9 =	sld [smem:$0x3FB7]  }
0x2f: {  	lr =	sadd.s32 s0, s3;
	s0 =	sld [smem:$0x3FAE]  }
0x30: {  	s3 =	sld [smem:$0x3FB1]  }
0x31: {  	[smem:$0x3FBA] =	sst s10  }
0x32: {  	s10 =	sld [smem:$0x3FB8];
	_ =	sdelay $0x3  }
0x33: {  	p0 =	seq.s32 s10, $0x1;
	s10 =	sld [smem:$0x3FBA];
	_ =	sdelay $0x3  }
0x34: {  	[smem:$0x3FBA] =	sst s10  }
0x35: {  	s10 =	sld [smem:$0x3FB9];
	_ =	sdelay $0x3  }
0x36: {  	p1 =	seq.s32 s10, $0x1;
	s10 =	sld [smem:$0x3FBA];
	_ =	sdelay $0x3  }
0x37: {  	[smem:$0x3FBA] =	sst s10  }
0x38: {  	s10 =	sld [smem:$0x3FBB]  }
0x39: {  	_ = 	snop;
	(pc) =	sbr.ind lr, $3  }
0x3a: {  	_ = 	snop  }
0x3b: {  	_ = 	snop  }
0x3c: {  	p2 =	seq.s32 s10, $0x1;
	s10 =	sld [smem:$0x3FBA]  }
0x3d: {  	_ =	shalt  }
0x3e: {  	_ =	shalt  }
0x3f: {  	_ =	shalt  }
0x40: {  	_ =	shalt  }
0x41: {  	_ =	shalt  }
0x42: {  	_ =	shalt  }
0x43: {  	_ =	shalt  }
0x44: {  	_ =	shalt  }
0x45: {  	_ =	shalt  }
0x46: {  	_ =	shalt  }
0x47: {  	_ =	shalt  }
0x48: {  	_ =	shalt  }
0x49: {  	_ =	shalt  }
0x4a: {  	_ =	shalt  }
0x4b: {  	_ =	shalt  }
0x4c: {  	_ =	shalt  }
0x4d: {  	_ =	shalt  }
0x4e: {  	_ =	shalt  }
0x4f: {  	_ =	shalt  }
0x50: {  	_ =	shalt  }
0x51: {  	_ =	shalt  }
0x52: {  	_ =	shalt  }
0x53: {  	_ =	shalt  }
0x54: {  	_ =	shalt  }
0x55: {  	_ =	shalt  }
0x56: {  	_ =	shalt  }
0x57: {  	_ =	shalt  }
0x58: {  	_ =	shalt  }
0x59: {  	_ =	shalt  }
0x5a: {  	_ =	shalt  }
0x5b: {  	_ =	shalt  }
0x5c: {  	_ =	shalt  }
0x5d: {  	_ =	shalt  }
0x5e: {  	_ =	shalt  }
0x5f: {  	_ =	shalt  }
0x60: {  	_ =	shalt  }
0x61: {  	_ =	shalt  }
0x62: {  	_ =	shalt  }
0x63: {  	_ =	shalt  }
0x64: {  	_ =	shalt  }
0x65: {  	_ =	shalt  }
0x66: {  	_ =	shalt  }
0x67: {  	_ =	shalt  }
0x68: {  	_ =	shalt  }
0x69: {  	_ =	shalt  }
0x6a: {  	_ =	shalt  }
0x6b: {  	_ =	shalt  }
0x6c: {  	_ =	shalt  }
0x6d: {  	_ =	shalt  }
0x6e: {  	_ =	shalt  }
0x6f: {  	_ =	shalt  }
0x70: {  	_ =	shalt  }
0x71: {  	_ =	shalt  }
0x72: {  	_ =	shalt  }
0x73: {  	_ =	shalt  }
0x74: {  	_ =	shalt  }
0x75: {  	_ =	shalt  }
0x76: {  	_ =	shalt  }
0x77: {  	_ =	shalt  }
0x78: {  	_ =	shalt  }
0x79: {  	_ =	shalt  }
0x7a: {  	_ =	shalt  }
0x7b: {  	_ =	shalt  }
0x7c: {  	_ =	shalt  }
0x7d: {  	_ =	shalt  }
0x7e: {  	_ =	shalt  }
0x7f: {  	_ =	shalt  }
0x80: {  	_ =	shalt  }
0x81: {  	_ =	shalt  }
0x82: {  	_ =	shalt  }
0x83: {  	_ =	shalt  }
0x84: {  	_ =	shalt  }
0x85: {  	_ =	shalt  }
0x86: {  	_ =	shalt  }
0x87: {  	_ =	shalt  }
.Lfunc_end0:
.L_simem_size_0:
called_computation_lowered:
.L_overlay_start_0:
0x88: {  	s2 =	sld [smem:$0x3FD9]  }
0x89: {  	s3 =	sld [smem:$0x3FFE];
	_ =	sdelay $0x1  }
0x8a: {  	s1 =	srdreg.scid  }
0x8b: {  	s0 =	sand.u32 $0x1, s1  }
0x8c: {  	s21 =	sshll.u32 s0, $0xA;
	s2 =	sadd.s32 s3, s2  }
0x8d: {  	s2 =	sadd.s32 s2, s21  }
0x8e: {  	s5 =	simm.s32 $0x0;
	[smem:$0x3FC6] =	sst s2  }
0x8f: {  	[smem:$0xF] =	sst s5  }
0x90: {  	s2 =	sld [smem:$0x3FC9]  }
0x91: {  	s4 =	sld [smem:$0x3FC8]  }
0x92: {  	s6 =	sld [smem:$0x3FD0];
	(tm) =	ssettm $0x1  }
0x93: {  	s22 =	sld [smem:$0x3FFB];
	_ =	sdelay $0x3  }
0x94: {  	_ =	strace s22  }
0x95: {  	s5 =	sld [smem:$0x3FFC];
	_ =	sdelay $0x3  }
0x96: {  	_ =	strace s5  }
0x97: {  	s5 =	sld [smem:$0x3FFD];
	_ =	sdelay $0x3  }
0x98: {  	_ =	strace s5  }
0x99: {  	s23 =	simm.s32 $0x1B8B;
	_ =	strace $0x8FFFFFFF  }
0x9a: {  	_ =	swait.ge [sflag:s23], $0x1  }
0x9b: {  	[sflag:s23] =	ssyncset.done $0x0  }
0x9c: {  	s24 =	simm.s32 $0x1B8E;
	[sflag:s23] =	ssyncadd.s32 $0xFFFFFFFF  }
0x9d: {  	[smem:$0x3FD2] =	sst s24  }
0x9e: {  	s25 =	simm.s32 $0xA;
	s7 =	simm.s32 $0x10;
	_ =	strace $0x80000046  }
0x9f: {  	[smem:s7], [sflag:s25] =	dma.local [hbm:s4], $0x10  }
0xa0: {  	_ =	swait.ge [sflag:s25], $0x10  }
0xa1: {  	s4 =	sshll.u32 s0, $0x3;
	[sflag:s25] =	ssyncset.done $0x0  }
0xa2: {  	s26 =	sor.u32 $0x10, s4;
	[sflag:s25] =	ssyncadd.s32 $0xFFFFFFF0  }
0xa3: {  	s28 =	sld [smem:s26+$0x0];
	_ =	sdelay $0x2  }
0xa4: {  	s29 =	sshll.u32 s0, $0xF  }
0xa5: {  	s7 =	sadd.s32 s28, s29  }
0xa6: {  	s7 =	sadd.s32 $0xFFFFFFFF, s7  }
0xa7: {  	s8 =	sshll.u32 s7, $0xA;
	s7 =	sshll.u32 s7, $0x7  }
0xa8: {  	s8 =	sand.u32 $0xFFFFE000, s8;
	s7 =	sand.u32 $0x380, s7  }
0xa9: {  	s30 =	simm.s32 $0x80;
	s7 =	sor.u32 s7, s8  }
0xaa: {  	s31 =	simm.s32 $0x9;
	s6 =	sadd.s32 s21, s6;
	s7 =	sshrl.u32 s7, $0x3  }
0xab: {  	s10 =	sor.u32 $0x11, s4;
	s8 =	simm.s32 $0x1;
	s9 =	sadd.s32 s2, s7  }
0xac: {  	[hbm:s6@s30], [sflag:s31] =	dma.strided [hbm:s9@s30], $0x80, s8, $0x10   }
0xad: {  	s9 =	sld [smem:s10+$0x0];
	_ =	sdelay $0x3  }
0xae: {  	s9 =	sadd.s32 s29, s9  }
0xaf: {  	s9 =	sadd.s32 $0xFFF, s9  }
0xb0: {  	s10 =	sshll.u32 s9, $0xA;
	s9 =	sshll.u32 s9, $0x7  }
0xb1: {  	s10 =	sand.u32 $0xFFFFE000, s10;
	s9 =	sand.u32 $0x380, s9  }
0xb2: {  	s9 =	sor.u32 s9, s10  }
0xb3: {  	s9 =	sshrl.u32 s9, $0x3  }
0xb4: {  	s11 =	sadd.s32 $0x10, s6;
	s12 =	sor.u32 $0x12, s4;
	s9 =	sadd.s32 s2, s9  }
0xb5: {  	[hbm:s11@s30], [sflag:s31] =	dma.strided [hbm:s9@s30], $0x80, s8, $0x10   }
0xb6: {  	s9 =	sld [smem:s12+$0x0];
	_ =	sdelay $0x3  }
0xb7: {  	s9 =	sadd.s32 s29, s9  }
0xb8: {  	s9 =	sadd.s32 $0x1FFF, s9  }
0xb9: {  	s13 =	sshll.u32 s9, $0xA;
	s9 =	sshll.u32 s9, $0x7  }
0xba: {  	s10 =	sand.u32 $0xFFFFE000, s13;
	s9 =	sand.u32 $0x380, s9  }
0xbb: {  	s9 =	sor.u32 s9, s10  }
0xbc: {  	s9 =	sshrl.u32 s9, $0x3  }
0xbd: {  	s14 =	sadd.s32 $0x20, s6;
	s15 =	sor.u32 $0x13, s4;
	s9 =	sadd.s32 s2, s9  }
0xbe: {  	[hbm:s14@s30], [sflag:s31] =	dma.strided [hbm:s9@s30], $0x80, s8, $0x10   }
0xbf: {  	s9 =	sld [smem:s15+$0x0];
	_ =	sdelay $0x3  }
0xc0: {  	s9 =	sadd.s32 s29, s9  }
0xc1: {  	s9 =	sadd.s32 $0x2FFF, s9  }
0xc2: {  	s16 =	sshll.u32 s9, $0xA;
	s9 =	sshll.u32 s9, $0x7  }
0xc3: {  	s10 =	sand.u32 $0xFFFFE000, s16;
	s9 =	sand.u32 $0x380, s9  }
0xc4: {  	s9 =	sor.u32 s9, s10  }
0xc5: {  	s9 =	sshrl.u32 s9, $0x3  }
0xc6: {  	s17 =	sadd.s32 $0x30, s6;
	s18 =	sor.u32 $0x14, s4;
	s9 =	sadd.s32 s2, s9  }
0xc7: {  	[hbm:s17@s30], [sflag:s31] =	dma.strided [hbm:s9@s30], $0x80, s8, $0x10   }
0xc8: {  	s9 =	sld [smem:s18+$0x0];
	_ =	sdelay $0x3  }
0xc9: {  	s9 =	sadd.s32 s29, s9  }
0xca: {  	s9 =	sadd.s32 $0x3FFF, s9  }
0xcb: {  	s19 =	sshll.u32 s9, $0xA;
	s9 =	sshll.u32 s9, $0x7  }
0xcc: {  	s10 =	sand.u32 $0xFFFFE000, s19;
	s9 =	sand.u32 $0x380, s9  }
0xcd: {  	s9 =	sor.u32 s9, s10  }
0xce: {  	s9 =	sshrl.u32 s9, $0x3  }
0xcf: {  	s20 =	sadd.s32 $0x40, s6;
	s21 =	sor.u32 $0x15, s4;
	s9 =	sadd.s32 s2, s9  }
0xd0: {  	[hbm:s20@s30], [sflag:s31] =	dma.strided [hbm:s9@s30], $0x80, s8, $0x10   }
0xd1: {  	s9 =	sld [smem:s21+$0x0];
	_ =	sdelay $0x3  }
0xd2: {  	s9 =	sadd.s32 s29, s9  }
0xd3: {  	s9 =	sadd.s32 $0x4FFF, s9  }
0xd4: {  	s22 =	sshll.u32 s9, $0xA;
	s9 =	sshll.u32 s9, $0x7  }
0xd5: {  	s10 =	sand.u32 $0xFFFFE000, s22;
	s9 =	sand.u32 $0x380, s9  }
0xd6: {  	s9 =	sor.u32 s9, s10  }
0xd7: {  	s9 =	sshrl.u32 s9, $0x3  }
0xd8: {  	s23 =	sadd.s32 $0x50, s6;
	s24 =	sor.u32 $0x16, s4;
	s9 =	sadd.s32 s2, s9  }
0xd9: {  	[hbm:s23@s30], [sflag:s31] =	dma.strided [hbm:s9@s30], $0x80, s8, $0x10   }
0xda: {  	s9 =	sld [smem:s24+$0x0];
	_ =	sdelay $0x3  }
0xdb: {  	s9 =	sadd.s32 s29, s9  }
0xdc: {  	s9 =	sadd.s32 $0x5FFF, s9  }
0xdd: {  	s25 =	sshll.u32 s9, $0xA;
	s9 =	sshll.u32 s9, $0x7  }
0xde: {  	s10 =	sand.u32 $0xFFFFE000, s25;
	s9 =	sand.u32 $0x380, s9  }
0xdf: {  	s9 =	sor.u32 s9, s10  }
0xe0: {  	s9 =	sshrl.u32 s9, $0x3  }
0xe1: {  	s4 =	sor.u32 $0x17, s4;
	s26 =	sadd.s32 $0x60, s6;
	s9 =	sadd.s32 s2, s9  }
0xe2: {  	[hbm:s26@s30], [sflag:s31] =	dma.strided [hbm:s9@s30], $0x80, s8, $0x10   }
0xe3: {  	s4 =	sld [smem:s4+$0x0];
	_ =	sdelay $0x3  }
0xe4: {  	s4 =	sadd.s32 s29, s4  }
0xe5: {  	s4 =	sadd.s32 $0x6FFF, s4  }
0xe6: {  	s28 =	sshll.u32 s4, $0xA;
	s4 =	sshll.u32 s4, $0x7  }
0xe7: {  	s5 =	sand.u32 $0xFFFFE000, s28;
	s4 =	sand.u32 $0x380, s4  }
0xe8: {  	s4 =	sor.u32 s4, s5  }
0xe9: {  	s4 =	sshrl.u32 s4, $0x3  }
0xea: {  	s29 =	sadd.s32 $0x70, s6;
	s2 =	sadd.s32 s2, s4  }
0xeb: {  	[hbm:s29@s30], [sflag:s31] =	dma.strided [hbm:s2@s30], $0x80, s8, $0x10   }
0xec: {  	_ =	swait.ge [sflag:s31], $0x80  }
0xed: {  	[sflag:s31] =	ssyncset.done $0x0  }
0xee: {  	[sflag:s31] =	ssyncadd.s32 $0xFFFFFF80;
	_ =	sdelay $0x2  }
0xef: {  	_ =	swait.ge [sflag:s31], $0x80  }
0xf0: {  	[sflag:s31] =	ssyncset.done $0x0  }
0xf1: {  	[sflag:s31] =	ssyncadd.s32 $0xFFFFFF80;
	_ =	sdelay $0x2  }
0xf2: {  	_ =	swait.ge [sflag:s31], $0x80  }
0xf3: {  	[sflag:s31] =	ssyncset.done $0x0  }
0xf4: {  	[sflag:s31] =	ssyncadd.s32 $0xFFFFFF80;
	_ =	sdelay $0x2  }
0xf5: {  	_ =	swait.ge [sflag:s31], $0x80  }
0xf6: {  	[sflag:s31] =	ssyncset.done $0x0  }
0xf7: {  	[sflag:s31] =	ssyncadd.s32 $0xFFFFFF80;
	_ =	sdelay $0x2  }
0xf8: {  	_ =	swait.ge [sflag:s31], $0x80  }
0xf9: {  	[sflag:s31] =	ssyncset.done $0x0  }
0xfa: {  	[sflag:s31] =	ssyncadd.s32 $0xFFFFFF80;
	_ =	sdelay $0x2  }
0xfb: {  	_ =	swait.ge [sflag:s31], $0x80  }
0xfc: {  	[sflag:s31] =	ssyncset.done $0x0  }
0xfd: {  	[sflag:s31] =	ssyncadd.s32 $0xFFFFFF80;
	_ =	sdelay $0x2  }
0xfe: {  	_ =	swait.ge [sflag:s31], $0x80  }
0xff: {  	[sflag:s31] =	ssyncset.done $0x0  }
0x100: {  	[sflag:s31] =	ssyncadd.s32 $0xFFFFFF80;
	_ =	sdelay $0x2  }
0x101: {  	_ =	swait.ge [sflag:s31], $0x80  }
0x102: {  	[sflag:s31] =	ssyncset.done $0x0  }
0x103: {  	[sflag:s31] =	ssyncadd.s32 $0xFFFFFF80  }
0x104: {  	_ =	strace $0x90000046  }
0x105: {  	_ =	sfence  }
0x106: {  	s30 =	sld [smem:$0x0];
	_ =	sdelay $0x2  }
0x107: {  	s31 =	sshll.u32 s1, $0xD;
	s1 =	sshrl.u32 s1, $0x2  }
0x108: {  	s3 =	sand.u32 $0x4000, s31;
	s1 =	sadd.s32 s1, s30  }
0x109: {  	s0 =	sor.u32 s3, s0;
	s1 =	sshll.u32 s1, $0x11  }
0x10a: {  	s0 =	sor.u32 s1, s0  }
0x10b: {  	s0 =	sadd.s32 $0x8F2B, s0;
	(pc) =	sbr.abs _section_cstart, $3  }
0x10c: {  	[sflag:s0] =	ssyncadd.remote.s32 $0x1  }
0x10d: {  	_ =	strace $0x9FFFFFFF  }
0x10e: {  	(tm) =	ssettm $0x7FFFFFFF  }
0x10f: {  	_ =	shalt  }

</sc_bundles>
